<compile_context>
chip_gen: v7x
topology: tpu7x:2x2x1
jax: 0.10.2.dev20260603
libtpu: 0.0.44.dev20260713+nightly
codegen_flags: <defaults>
</compile_context>

<pallas_src>
import functools

import jax
import jax.numpy as jnp
from jax import lax
from jax.experimental import pallas as pl
from jax.experimental.pallas import tpu as pltpu
from jax.experimental.pallas import tpu_sc as plsc

EMB_DIM = 32
OUT_DIM = 64
PACK = 8

_NC = 2
_NS = 16
_NW = _NC * _NS
_CHUNK = 128

_R = 8192
_SPLIT = 16 * _R


def _tc_repack(tableT):
    V = tableT.shape[1]
    n_blocks = pl.cdiv(V, _R)
    n_off = _SPLIT // _R

    def mk_index_map(k):
        return lambda i: (0, jnp.minimum(k * n_off + i, n_blocks - 1))

    def body(*refs):
        ts = refs[:PACK]
        out_ref = refs[PACK]
        packs = []
        for g in range(PACK // 2):
            lo = lax.bitcast_convert_type(
                ts[2 * g][...].astype(jnp.bfloat16), jnp.uint16
            ).astype(jnp.uint32)
            hi = lax.bitcast_convert_type(
                ts[2 * g + 1][...].astype(jnp.bfloat16), jnp.uint16
            ).astype(jnp.uint32)
            packs.append(lo | (hi << 16))
        cat = jnp.concatenate(packs, axis=0)
        out_ref[...] = lax.bitcast_convert_type(
            jnp.transpose(cat, (1, 0)), jnp.float32
        )

    return pl.pallas_call(
        body,
        out_shape=jax.ShapeDtypeStruct((_SPLIT, 128), jnp.float32),
        grid=(_SPLIT // _R,),
        in_specs=[
            pl.BlockSpec((EMB_DIM, _R), mk_index_map(k)) for k in range(PACK)
        ],
        out_specs=pl.BlockSpec((_R, 128), lambda i: (i, 0)),
    )(*([tableT] * PACK))


def _sc_gather(packed, idx3):
    nw, n_chunk, chunk = idx3.shape
    rows_per_w = n_chunk * chunk
    B = nw * rows_per_w
    mesh = plsc.VectorSubcoreMesh(core_axis_name="c", subcore_axis_name="s")

    @functools.partial(
        pl.kernel,
        mesh=mesh,
        out_type=jax.ShapeDtypeStruct((B, 128), jnp.float32),
        scratch_types=[
            pltpu.VMEM((n_chunk, chunk), jnp.int32),
            pltpu.VMEM((rows_per_w, 128), jnp.float32),
            pltpu.SemaphoreType.DMA,
        ],
        compiler_params=pltpu.CompilerParams(use_tc_tiling_on_sc=True),
    )
    def k(packed_hbm, idx_hbm, out_hbm, idx_v, rows_v, sem):
        wid = lax.axis_index("s") * _NC + lax.axis_index("c")
        base = wid * rows_per_w
        pltpu.sync_copy(idx_hbm.at[wid], idx_v)
        copies = []
        for j in range(n_chunk):
            copies.append(
                pltpu.async_copy(
                    packed_hbm.at[idx_v.at[j]],
                    rows_v.at[pl.ds(j * chunk, chunk)],
                    sem,
                )
            )
        for c in copies:
            c.wait()
        pltpu.sync_copy(rows_v, out_hbm.at[pl.ds(base, rows_per_w)])

    return k(packed, idx3)


def _tc_select_matmul(lines, k, W, b2):
    B = lines.shape[0]
    blk = 4096

    def body(k_ref, e_ref, w_ref, b_ref, out_ref):
        eu = lax.bitcast_convert_type(e_ref[...], jnp.uint32)
        kv = k_ref[...]
        hi_mask = jnp.uint32(0xFFFF0000)
        ef = lax.bitcast_convert_type(
            jnp.where(kv % 2 == 1, eu & hi_mask, eu << 16), jnp.float32
        )
        gv = kv // 2
        sel = jnp.zeros((blk, EMB_DIM), jnp.float32)
        for g in range(PACK // 2):
            sel += jnp.where(gv == g, ef[:, g * EMB_DIM:(g + 1) * EMB_DIM], 0.0)
        out_ref[...] = (
            lax.dot_general(
                w_ref[...], sel,
                (((0,), (1,)), ((), ())),
                preferred_element_type=jnp.float32,
            )
            + b_ref[...]
        )

    return pl.pallas_call(
        body,
        out_shape=jax.ShapeDtypeStruct((OUT_DIM, B), jnp.float32),
        grid=(B // blk,),
        in_specs=[
            pl.BlockSpec((blk, 1), lambda i: (i, 0)),
            pl.BlockSpec((blk, 128), lambda i: (i, 0)),
            pl.BlockSpec((EMB_DIM, OUT_DIM), lambda i: (0, 0)),
            pl.BlockSpec((OUT_DIM, 1), lambda i: (0, 0)),
        ],
        out_specs=pl.BlockSpec((OUT_DIM, blk), lambda i: (0, i)),
    )(k, lines, W, b2)


def kernel(input_vert, vert_embedding, W, b):
    idx = input_vert.astype(jnp.int32)
    tableT = vert_embedding.T
    packed = _tc_repack(tableT)
    kslot = idx // _SPLIT
    line = idx - kslot * _SPLIT
    idx3 = line.reshape(_NW, -1, _CHUNK)
    lines = _sc_gather(packed, idx3)
    outT = _tc_select_matmul(
        lines, kslot.reshape(-1, 1), W, b.reshape(OUT_DIM, 1))
    return outT.T

# --- scband reference (transcript-rebuilt; emitter-appended) ---
"""Pipeline reference for scband-vert-encoder-64561948393669 (READ-ONLY COPY).

The authoritative reference and input builder live on the scoring server;
editing this copy changes nothing except your own understanding.
"""

import jax, jax.numpy as jnp
import numpy as np

VERT_NUM = 1000000
VERT_EMB_DIM = 32
NUM_FILTERS = 64
BATCH = 16384


def setup_inputs(seed: int = 0) -> dict:
    key = jax.random.key(seed)
    k_idx, k_tab, k_w = jax.random.split(key, 3)
    input_vert = jax.random.randint(k_idx, (BATCH,), 0, VERT_NUM, dtype=jnp.int64 if jax.config.jax_enable_x64 else jnp.int32)
    # embedding table (nn.Embedding default init: N(0,1))
    vert_embedding = jax.random.normal(k_tab, (VERT_NUM, VERT_EMB_DIM), dtype=jnp.float32)
    # xavier_uniform for linear weight [in, out] layout for jax matmul
    limit = float(np.sqrt(6.0 / (VERT_EMB_DIM + NUM_FILTERS)))
    W = jax.random.uniform(k_w, (VERT_EMB_DIM, NUM_FILTERS), minval=-limit, maxval=limit, dtype=jnp.float32)
    b = jnp.zeros((NUM_FILTERS,), dtype=jnp.float32)
    return {"input_vert": input_vert, "vert_embedding": vert_embedding, "W": W, "b": b}


def reference(input_vert, vert_embedding, W, b):
    # embedding lookup (gather)
    vert_emb = jnp.take(vert_embedding, input_vert, axis=0)  # [B, emb_dim]
    # linear projection
    pred_vert = vert_emb @ W + b  # [B, num_filters]
    pred_vert = pred_vert.reshape(-1, NUM_FILTERS)
    return pred_vert

if __name__ == "__main__":
    import jax
    _d = setup_inputs()
    print(jax.jit(kernel)(*tuple(_d.values())))

</pallas_src>

<mosaic_0001>
#map = affine_map<(d0, d1) -> (0, 0)>
#map1 = affine_map<(d0, d1) -> (0, 0, 0)>
module attributes {stable_mosaic.version = 14 : i64} {
  func.func @k(%arg0: i32, %arg1: i32, %arg2: memref<131072x128xf32, #tpu.memory_space<hbm>>, %arg3: memref<32x4x128xi32, #tpu.memory_space<hbm>>, %arg4: memref<16384x128xf32, #tpu.memory_space<hbm>>, %arg5: memref<4x128xi32, #tpu.memory_space<vmem>>, %arg6: memref<512x128xf32, #tpu.memory_space<vmem>>, %arg7: memref<!tpu.dma_semaphore, #tpu.memory_space<semaphore_mem>>) attributes {dimension_semantics = [#tpu.dimension_semantics<core_parallel>, #tpu.dimension_semantics<subcore_parallel>], iteration_bounds = array<i64: 2, 16>, scalar_prefetch = 0 : i64, scratch_operands = 3 : i64, tpu.core_type = #tpu.core_type<sc_vector_subcore>, window_params = [{transform_indices = #map}, {transform_indices = #map1}, {transform_indices = #map}]} {
    %mul3A = arith.constant 2 : i32
    %mul3A_0 = arith.muli %arg1, %mul3A : i32
    %add3A = arith.addi %mul3A_0, %arg0 : i32
    %mul3A_1 = arith.constant 512 : i32
    %mul3A_2 = arith.muli %add3A, %mul3A_1 : i32
    "tpu.region"() ({
      %run_scoped3A = tpu.sem_alloc : memref<!tpu.dma_semaphore, #tpu.memory_space<semaphore_mem>>
      %dma_start3A_81 = arith.constant 0 : i32
      %dma_start3A_82 = arith.constant 0 : i32
      %dma_start3A_83 = tpu.memref_slice %arg3[%add3A, %dma_start3A_81, %dma_start3A_82] : memref<32x4x128xi32, #tpu.memory_space<hbm>> -> memref<1x4x128xi32, #tpu.memory_space<hbm>>
      %dma_start3A_84 = tpu.memref_squeeze %dma_start3A_83 : memref<1x4x128xi32, #tpu.memory_space<hbm>> -> memref<4x128xi32, #tpu.memory_space<hbm>>
      %dma_start3A_85 = arith.constant 0 : i32
      %dma_start3A_86 = arith.constant 0 : i32
      %dma_start3A_87 = tpu.memref_slice %arg3[%add3A, %dma_start3A_85, %dma_start3A_86] : memref<32x4x128xi32, #tpu.memory_space<hbm>> -> memref<1x4x128xi32, #tpu.memory_space<hbm>>
      %dma_start3A_88 = tpu.memref_squeeze %dma_start3A_87 : memref<1x4x128xi32, #tpu.memory_space<hbm>> -> memref<4x128xi32, #tpu.memory_space<hbm>>
      tpu.enqueue_dma source(%dma_start3A_88 : memref<4x128xi32, #tpu.memory_space<hbm>>) target(%arg5 : memref<4x128xi32, #tpu.memory_space<vmem>>) target_semaphore(%run_scoped3A : memref<!tpu.dma_semaphore, #tpu.memory_space<semaphore_mem>>)
      %dma_wait3A_89 = arith.constant 0 : i32
      %dma_wait3A_90 = arith.constant 0 : i32
      %dma_wait3A_91 = tpu.memref_slice %arg3[%add3A, %dma_wait3A_89, %dma_wait3A_90] : memref<32x4x128xi32, #tpu.memory_space<hbm>> -> memref<1x4x128xi32, #tpu.memory_space<hbm>>
      %dma_wait3A_92 = tpu.memref_squeeze %dma_wait3A_91 : memref<1x4x128xi32, #tpu.memory_space<hbm>> -> memref<4x128xi32, #tpu.memory_space<hbm>>
      %dma_wait3A_93 = arith.constant 0 : i32
      %dma_wait3A_94 = arith.constant 0 : i32
      %dma_wait3A_95 = tpu.memref_slice %arg3[%add3A, %dma_wait3A_93, %dma_wait3A_94] : memref<32x4x128xi32, #tpu.memory_space<hbm>> -> memref<1x4x128xi32, #tpu.memory_space<hbm>>
      %dma_wait3A_96 = tpu.memref_squeeze %dma_wait3A_95 : memref<1x4x128xi32, #tpu.memory_space<hbm>> -> memref<4x128xi32, #tpu.memory_space<hbm>>
      tpu.wait_dma2 semaphore(%run_scoped3A : memref<!tpu.dma_semaphore, #tpu.memory_space<semaphore_mem>>) src(%dma_wait3A_96 : memref<4x128xi32, #tpu.memory_space<hbm>>) dst(%arg5 : memref<4x128xi32, #tpu.memory_space<vmem>>)
      tpu.yield
    }) : () -> ()
    %dma_start3A = arith.constant 0 : i32
    %dma_start3A_3 = arith.constant 0 : i32
    %dma_start3A_4 = arith.constant 0 : i32
    %dma_start3A_5 = tpu.memref_slice %arg6[%dma_start3A_3, %dma_start3A_4] : memref<512x128xf32, #tpu.memory_space<vmem>> -> memref<128x128xf32, #tpu.memory_space<vmem>>
    %dma_start3A_6 = arith.constant 0 : i32
    %dma_start3A_7 = tpu.memref_slice %arg5[%dma_start3A, %dma_start3A_6] : memref<4x128xi32, #tpu.memory_space<vmem>> -> memref<1x128xi32, #tpu.memory_space<vmem>>
    %dma_start3A_8 = tpu.memref_squeeze %dma_start3A_7 : memref<1x128xi32, #tpu.memory_space<vmem>> -> memref<128xi32, #tpu.memory_space<vmem>>
    %dma_start3A_9 = arith.constant 0 : i32
    %dma_start3A_10 = arith.constant 0 : i32
    %dma_start3A_11 = tpu.memref_slice %arg2[%dma_start3A_9, %dma_start3A_10] : memref<131072x128xf32, #tpu.memory_space<hbm>> -> memref<131072x128xf32, #tpu.memory_space<hbm>>
    tpu.enqueue_indirect_dma source(%dma_start3A_11 : memref<131072x128xf32, #tpu.memory_space<hbm>>) target(%dma_start3A_5 : memref<128x128xf32, #tpu.memory_space<vmem>>) offsets(%dma_start3A_8 : memref<128xi32, #tpu.memory_space<vmem>>) semaphore(%arg7 : memref<!tpu.dma_semaphore, #tpu.memory_space<semaphore_mem>>)
    %dma_start3A_12 = arith.constant 1 : i32
    %dma_start3A_13 = arith.constant 128 : i32
    %dma_start3A_14 = arith.constant 0 : i32
    %dma_start3A_15 = tpu.memref_slice %arg6[%dma_start3A_13, %dma_start3A_14] : memref<512x128xf32, #tpu.memory_space<vmem>> -> memref<128x128xf32, #tpu.memory_space<vmem>>
    %dma_start3A_16 = arith.constant 0 : i32
    %dma_start3A_17 = tpu.memref_slice %arg5[%dma_start3A_12, %dma_start3A_16] : memref<4x128xi32, #tpu.memory_space<vmem>> -> memref<1x128xi32, #tpu.memory_space<vmem>>
    %dma_start3A_18 = tpu.memref_squeeze %dma_start3A_17 : memref<1x128xi32, #tpu.memory_space<vmem>> -> memref<128xi32, #tpu.memory_space<vmem>>
    %dma_start3A_19 = arith.constant 0 : i32
    %dma_start3A_20 = arith.constant 0 : i32
    %dma_start3A_21 = tpu.memref_slice %arg2[%dma_start3A_19, %dma_start3A_20] : memref<131072x128xf32, #tpu.memory_space<hbm>> -> memref<131072x128xf32, #tpu.memory_space<hbm>>
    tpu.enqueue_indirect_dma source(%dma_start3A_21 : memref<131072x128xf32, #tpu.memory_space<hbm>>) target(%dma_start3A_15 : memref<128x128xf32, #tpu.memory_space<vmem>>) offsets(%dma_start3A_18 : memref<128xi32, #tpu.memory_space<vmem>>) semaphore(%arg7 : memref<!tpu.dma_semaphore, #tpu.memory_space<semaphore_mem>>)
    %dma_start3A_22 = arith.constant 2 : i32
    %dma_start3A_23 = arith.constant 256 : i32
    %dma_start3A_24 = arith.constant 0 : i32
    %dma_start3A_25 = tpu.memref_slice %arg6[%dma_start3A_23, %dma_start3A_24] : memref<512x128xf32, #tpu.memory_space<vmem>> -> memref<128x128xf32, #tpu.memory_space<vmem>>
    %dma_start3A_26 = arith.constant 0 : i32
    %dma_start3A_27 = tpu.memref_slice %arg5[%dma_start3A_22, %dma_start3A_26] : memref<4x128xi32, #tpu.memory_space<vmem>> -> memref<1x128xi32, #tpu.memory_space<vmem>>
    %dma_start3A_28 = tpu.memref_squeeze %dma_start3A_27 : memref<1x128xi32, #tpu.memory_space<vmem>> -> memref<128xi32, #tpu.memory_space<vmem>>
    %dma_start3A_29 = arith.constant 0 : i32
    %dma_start3A_30 = arith.constant 0 : i32
    %dma_start3A_31 = tpu.memref_slice %arg2[%dma_start3A_29, %dma_start3A_30] : memref<131072x128xf32, #tpu.memory_space<hbm>> -> memref<131072x128xf32, #tpu.memory_space<hbm>>
    tpu.enqueue_indirect_dma source(%dma_start3A_31 : memref<131072x128xf32, #tpu.memory_space<hbm>>) target(%dma_start3A_25 : memref<128x128xf32, #tpu.memory_space<vmem>>) offsets(%dma_start3A_28 : memref<128xi32, #tpu.memory_space<vmem>>) semaphore(%arg7 : memref<!tpu.dma_semaphore, #tpu.memory_space<semaphore_mem>>)
    %dma_start3A_32 = arith.constant 3 : i32
    %dma_start3A_33 = arith.constant 384 : i32
    %dma_start3A_34 = arith.constant 0 : i32
    %dma_start3A_35 = tpu.memref_slice %arg6[%dma_start3A_33, %dma_start3A_34] : memref<512x128xf32, #tpu.memory_space<vmem>> -> memref<128x128xf32, #tpu.memory_space<vmem>>
    %dma_start3A_36 = arith.constant 0 : i32
    %dma_start3A_37 = tpu.memref_slice %arg5[%dma_start3A_32, %dma_start3A_36] : memref<4x128xi32, #tpu.memory_space<vmem>> -> memref<1x128xi32, #tpu.memory_space<vmem>>
    %dma_start3A_38 = tpu.memref_squeeze %dma_start3A_37 : memref<1x128xi32, #tpu.memory_space<vmem>> -> memref<128xi32, #tpu.memory_space<vmem>>
    %dma_start3A_39 = arith.constant 0 : i32
    %dma_start3A_40 = arith.constant 0 : i32
    %dma_start3A_41 = tpu.memref_slice %arg2[%dma_start3A_39, %dma_start3A_40] : memref<131072x128xf32, #tpu.memory_space<hbm>> -> memref<131072x128xf32, #tpu.memory_space<hbm>>
    tpu.enqueue_indirect_dma source(%dma_start3A_41 : memref<131072x128xf32, #tpu.memory_space<hbm>>) target(%dma_start3A_35 : memref<128x128xf32, #tpu.memory_space<vmem>>) offsets(%dma_start3A_38 : memref<128xi32, #tpu.memory_space<vmem>>) semaphore(%arg7 : memref<!tpu.dma_semaphore, #tpu.memory_space<semaphore_mem>>)
    %dma_wait3A = arith.constant 0 : i32
    %dma_wait3A_42 = arith.constant 0 : i32
    %dma_wait3A_43 = arith.constant 0 : i32
    %dma_wait3A_44 = tpu.memref_slice %arg6[%dma_wait3A_42, %dma_wait3A_43] : memref<512x128xf32, #tpu.memory_space<vmem>> -> memref<128x128xf32, #tpu.memory_space<vmem>>
    %dma_wait3A_45 = arith.constant 0 : i32
    %dma_wait3A_46 = tpu.memref_slice %arg5[%dma_wait3A, %dma_wait3A_45] : memref<4x128xi32, #tpu.memory_space<vmem>> -> memref<1x128xi32, #tpu.memory_space<vmem>>
    %dma_wait3A_47 = tpu.memref_squeeze %dma_wait3A_46 : memref<1x128xi32, #tpu.memory_space<vmem>> -> memref<128xi32, #tpu.memory_space<vmem>>
    %dma_wait3A_48 = arith.constant 0 : i32
    %dma_wait3A_49 = arith.constant 0 : i32
    %dma_wait3A_50 = tpu.memref_slice %arg2[%dma_wait3A_48, %dma_wait3A_49] : memref<131072x128xf32, #tpu.memory_space<hbm>> -> memref<131072x128xf32, #tpu.memory_space<hbm>>
    tpu.wait_indirect_dma semaphore(%arg7 : memref<!tpu.dma_semaphore, #tpu.memory_space<semaphore_mem>>) src(%dma_wait3A_50 : memref<131072x128xf32, #tpu.memory_space<hbm>>) dst(%dma_wait3A_44 : memref<128x128xf32, #tpu.memory_space<vmem>>)
    %dma_wait3A_51 = arith.constant 1 : i32
    %dma_wait3A_52 = arith.constant 128 : i32
    %dma_wait3A_53 = arith.constant 0 : i32
    %dma_wait3A_54 = tpu.memref_slice %arg6[%dma_wait3A_52, %dma_wait3A_53] : memref<512x128xf32, #tpu.memory_space<vmem>> -> memref<128x128xf32, #tpu.memory_space<vmem>>
    %dma_wait3A_55 = arith.constant 0 : i32
    %dma_wait3A_56 = tpu.memref_slice %arg5[%dma_wait3A_51, %dma_wait3A_55] : memref<4x128xi32, #tpu.memory_space<vmem>> -> memref<1x128xi32, #tpu.memory_space<vmem>>
    %dma_wait3A_57 = tpu.memref_squeeze %dma_wait3A_56 : memref<1x128xi32, #tpu.memory_space<vmem>> -> memref<128xi32, #tpu.memory_space<vmem>>
    %dma_wait3A_58 = arith.constant 0 : i32
    %dma_wait3A_59 = arith.constant 0 : i32
    %dma_wait3A_60 = tpu.memref_slice %arg2[%dma_wait3A_58, %dma_wait3A_59] : memref<131072x128xf32, #tpu.memory_space<hbm>> -> memref<131072x128xf32, #tpu.memory_space<hbm>>
    tpu.wait_indirect_dma semaphore(%arg7 : memref<!tpu.dma_semaphore, #tpu.memory_space<semaphore_mem>>) src(%dma_wait3A_60 : memref<131072x128xf32, #tpu.memory_space<hbm>>) dst(%dma_wait3A_54 : memref<128x128xf32, #tpu.memory_space<vmem>>)
    %dma_wait3A_61 = arith.constant 2 : i32
    %dma_wait3A_62 = arith.constant 256 : i32
    %dma_wait3A_63 = arith.constant 0 : i32
    %dma_wait3A_64 = tpu.memref_slice %arg6[%dma_wait3A_62, %dma_wait3A_63] : memref<512x128xf32, #tpu.memory_space<vmem>> -> memref<128x128xf32, #tpu.memory_space<vmem>>
    %dma_wait3A_65 = arith.constant 0 : i32
    %dma_wait3A_66 = tpu.memref_slice %arg5[%dma_wait3A_61, %dma_wait3A_65] : memref<4x128xi32, #tpu.memory_space<vmem>> -> memref<1x128xi32, #tpu.memory_space<vmem>>
    %dma_wait3A_67 = tpu.memref_squeeze %dma_wait3A_66 : memref<1x128xi32, #tpu.memory_space<vmem>> -> memref<128xi32, #tpu.memory_space<vmem>>
    %dma_wait3A_68 = arith.constant 0 : i32
    %dma_wait3A_69 = arith.constant 0 : i32
    %dma_wait3A_70 = tpu.memref_slice %arg2[%dma_wait3A_68, %dma_wait3A_69] : memref<131072x128xf32, #tpu.memory_space<hbm>> -> memref<131072x128xf32, #tpu.memory_space<hbm>>
    tpu.wait_indirect_dma semaphore(%arg7 : memref<!tpu.dma_semaphore, #tpu.memory_space<semaphore_mem>>) src(%dma_wait3A_70 : memref<131072x128xf32, #tpu.memory_space<hbm>>) dst(%dma_wait3A_64 : memref<128x128xf32, #tpu.memory_space<vmem>>)
    %dma_wait3A_71 = arith.constant 3 : i32
    %dma_wait3A_72 = arith.constant 384 : i32
    %dma_wait3A_73 = arith.constant 0 : i32
    %dma_wait3A_74 = tpu.memref_slice %arg6[%dma_wait3A_72, %dma_wait3A_73] : memref<512x128xf32, #tpu.memory_space<vmem>> -> memref<128x128xf32, #tpu.memory_space<vmem>>
    %dma_wait3A_75 = arith.constant 0 : i32
    %dma_wait3A_76 = tpu.memref_slice %arg5[%dma_wait3A_71, %dma_wait3A_75] : memref<4x128xi32, #tpu.memory_space<vmem>> -> memref<1x128xi32, #tpu.memory_space<vmem>>
    %dma_wait3A_77 = tpu.memref_squeeze %dma_wait3A_76 : memref<1x128xi32, #tpu.memory_space<vmem>> -> memref<128xi32, #tpu.memory_space<vmem>>
    %dma_wait3A_78 = arith.constant 0 : i32
    %dma_wait3A_79 = arith.constant 0 : i32
    %dma_wait3A_80 = tpu.memref_slice %arg2[%dma_wait3A_78, %dma_wait3A_79] : memref<131072x128xf32, #tpu.memory_space<hbm>> -> memref<131072x128xf32, #tpu.memory_space<hbm>>
    tpu.wait_indirect_dma semaphore(%arg7 : memref<!tpu.dma_semaphore, #tpu.memory_space<semaphore_mem>>) src(%dma_wait3A_80 : memref<131072x128xf32, #tpu.memory_space<hbm>>) dst(%dma_wait3A_74 : memref<128x128xf32, #tpu.memory_space<vmem>>)
    "tpu.region"() ({
      %run_scoped3A = tpu.sem_alloc : memref<!tpu.dma_semaphore, #tpu.memory_space<semaphore_mem>>
      %dma_start3A_81 = arith.constant 0 : i32
      %dma_start3A_82 = tpu.memref_slice %arg4[%mul3A_2, %dma_start3A_81] : memref<16384x128xf32, #tpu.memory_space<hbm>> -> memref<512x128xf32, #tpu.memory_space<hbm>>
      %dma_start3A_83 = arith.constant 0 : i32
      %dma_start3A_84 = tpu.memref_slice %arg4[%mul3A_2, %dma_start3A_83] : memref<16384x128xf32, #tpu.memory_space<hbm>> -> memref<512x128xf32, #tpu.memory_space<hbm>>
      tpu.enqueue_dma source(%arg6 : memref<512x128xf32, #tpu.memory_space<vmem>>) target(%dma_start3A_84 : memref<512x128xf32, #tpu.memory_space<hbm>>) target_semaphore(%run_scoped3A : memref<!tpu.dma_semaphore, #tpu.memory_space<semaphore_mem>>)
      %dma_wait3A_85 = arith.constant 0 : i32
      %dma_wait3A_86 = tpu.memref_slice %arg4[%mul3A_2, %dma_wait3A_85] : memref<16384x128xf32, #tpu.memory_space<hbm>> -> memref<512x128xf32, #tpu.memory_space<hbm>>
      %dma_wait3A_87 = arith.constant 0 : i32
      %dma_wait3A_88 = tpu.memref_slice %arg4[%mul3A_2, %dma_wait3A_87] : memref<16384x128xf32, #tpu.memory_space<hbm>> -> memref<512x128xf32, #tpu.memory_space<hbm>>
      tpu.wait_dma2 semaphore(%run_scoped3A : memref<!tpu.dma_semaphore, #tpu.memory_space<semaphore_mem>>) src(%arg6 : memref<512x128xf32, #tpu.memory_space<vmem>>) dst(%dma_wait3A_88 : memref<512x128xf32, #tpu.memory_space<hbm>>)
      tpu.yield
    }) : () -> ()
    return
  }
}

module attributes {stable_mosaic.version = 14 : i64} {
  func.func @body(%arg0: i32, %arg1: memref<32x8192xf32, #tpu.memory_space<vmem>>, %arg2: memref<32x8192xf32, #tpu.memory_space<vmem>>, %arg3: memref<32x8192xf32, #tpu.memory_space<vmem>>, %arg4: memref<32x8192xf32, #tpu.memory_space<vmem>>, %arg5: memref<32x8192xf32, #tpu.memory_space<vmem>>, %arg6: memref<32x8192xf32, #tpu.memory_space<vmem>>, %arg7: memref<32x8192xf32, #tpu.memory_space<vmem>>, %arg8: memref<32x8192xf32, #tpu.memory_space<vmem>>, %arg9: memref<8192x128xf32, #tpu.memory_space<vmem>>) attributes {dimension_semantics = [#tpu.dimension_semantics<arbitrary>], iteration_bounds = array<i64: 16>, scalar_prefetch = 0 : i64, scratch_operands = 0 : i64, tpu.core_type = #tpu.core_type<tc>, window_params = [{transform_indices = @transform_0, window_bounds = array<i64: 32, 8192>}, {transform_indices = @transform_1, window_bounds = array<i64: 32, 8192>}, {transform_indices = @transform_2, window_bounds = array<i64: 32, 8192>}, {transform_indices = @transform_3, window_bounds = array<i64: 32, 8192>}, {transform_indices = @transform_4, window_bounds = array<i64: 32, 8192>}, {transform_indices = @transform_5, window_bounds = array<i64: 32, 8192>}, {transform_indices = @transform_6, window_bounds = array<i64: 32, 8192>}, {transform_indices = @transform_7, window_bounds = array<i64: 32, 8192>}, {transform_indices = @transform_8, window_bounds = array<i64: 8192, 128>}]} {
    %get3A = arith.constant 0 : index
    %get3A_0 = arith.constant 0 : index
    %get3A_1 = vector.load %arg1[%get3A, %get3A_0] : memref<32x8192xf32, #tpu.memory_space<vmem>>, vector<32x8192xf32>
    %convert_element_type3A = arith.truncf %get3A_1 : vector<32x8192xf32> to vector<32x8192xbf16>
    %bitcast_convert_type3A = tpu.bitcast %convert_element_type3A : vector<32x8192xbf16> -> vector<32x8192xi16>
    %convert_element_type3A_2 = arith.extui %bitcast_convert_type3A : vector<32x8192xi16> to vector<32x8192xi32>
    %get3A_3 = arith.constant 0 : index
    %get3A_4 = arith.constant 0 : index
    %get3A_5 = vector.load %arg2[%get3A_3, %get3A_4] : memref<32x8192xf32, #tpu.memory_space<vmem>>, vector<32x8192xf32>
    %convert_element_type3A_6 = arith.truncf %get3A_5 : vector<32x8192xf32> to vector<32x8192xbf16>
    %bitcast_convert_type3A_7 = tpu.bitcast %convert_element_type3A_6 : vector<32x8192xbf16> -> vector<32x8192xi16>
    %convert_element_type3A_8 = arith.extui %bitcast_convert_type3A_7 : vector<32x8192xi16> to vector<32x8192xi32>
    %shift_left3A = arith.constant 16 : i32
    %shift_left3A_9 = vector.broadcast %shift_left3A : i32 to vector<32x8192xi32>
    %shift_left3A_10 = arith.shli %convert_element_type3A_8, %shift_left3A_9 : vector<32x8192xi32>
    %or3A = arith.ori %convert_element_type3A_2, %shift_left3A_10 : vector<32x8192xi32>
    %get3A_11 = arith.constant 0 : index
    %get3A_12 = arith.constant 0 : index
    %get3A_13 = vector.load %arg3[%get3A_11, %get3A_12] : memref<32x8192xf32, #tpu.memory_space<vmem>>, vector<32x8192xf32>
    %convert_element_type3A_14 = arith.truncf %get3A_13 : vector<32x8192xf32> to vector<32x8192xbf16>
    %bitcast_convert_type3A_15 = tpu.bitcast %convert_element_type3A_14 : vector<32x8192xbf16> -> vector<32x8192xi16>
    %convert_element_type3A_16 = arith.extui %bitcast_convert_type3A_15 : vector<32x8192xi16> to vector<32x8192xi32>
    %get3A_17 = arith.constant 0 : index
    %get3A_18 = arith.constant 0 : index
    %get3A_19 = vector.load %arg4[%get3A_17, %get3A_18] : memref<32x8192xf32, #tpu.memory_space<vmem>>, vector<32x8192xf32>
    %convert_element_type3A_20 = arith.truncf %get3A_19 : vector<32x8192xf32> to vector<32x8192xbf16>
    %bitcast_convert_type3A_21 = tpu.bitcast %convert_element_type3A_20 : vector<32x8192xbf16> -> vector<32x8192xi16>
    %convert_element_type3A_22 = arith.extui %bitcast_convert_type3A_21 : vector<32x8192xi16> to vector<32x8192xi32>
    %shift_left3A_23 = arith.constant 16 : i32
    %shift_left3A_24 = vector.broadcast %shift_left3A_23 : i32 to vector<32x8192xi32>
    %shift_left3A_25 = arith.shli %convert_element_type3A_22, %shift_left3A_24 : vector<32x8192xi32>
    %or3A_26 = arith.ori %convert_element_type3A_16, %shift_left3A_25 : vector<32x8192xi32>
    %get3A_27 = arith.constant 0 : index
    %get3A_28 = arith.constant 0 : index
    %get3A_29 = vector.load %arg5[%get3A_27, %get3A_28] : memref<32x8192xf32, #tpu.memory_space<vmem>>, vector<32x8192xf32>
    %convert_element_type3A_30 = arith.truncf %get3A_29 : vector<32x8192xf32> to vector<32x8192xbf16>
    %bitcast_convert_type3A_31 = tpu.bitcast %convert_element_type3A_30 : vector<32x8192xbf16> -> vector<32x8192xi16>
    %convert_element_type3A_32 = arith.extui %bitcast_convert_type3A_31 : vector<32x8192xi16> to vector<32x8192xi32>
    %get3A_33 = arith.constant 0 : index
    %get3A_34 = arith.constant 0 : index
    %get3A_35 = vector.load %arg6[%get3A_33, %get3A_34] : memref<32x8192xf32, #tpu.memory_space<vmem>>, vector<32x8192xf32>
    %convert_element_type3A_36 = arith.truncf %get3A_35 : vector<32x8192xf32> to vector<32x8192xbf16>
    %bitcast_convert_type3A_37 = tpu.bitcast %convert_element_type3A_36 : vector<32x8192xbf16> -> vector<32x8192xi16>
    %convert_element_type3A_38 = arith.extui %bitcast_convert_type3A_37 : vector<32x8192xi16> to vector<32x8192xi32>
    %shift_left3A_39 = arith.constant 16 : i32
    %shift_left3A_40 = vector.broadcast %shift_left3A_39 : i32 to vector<32x8192xi32>
    %shift_left3A_41 = arith.shli %convert_element_type3A_38, %shift_left3A_40 : vector<32x8192xi32>
    %or3A_42 = arith.ori %convert_element_type3A_32, %shift_left3A_41 : vector<32x8192xi32>
    %get3A_43 = arith.constant 0 : index
    %get3A_44 = arith.constant 0 : index
    %get3A_45 = vector.load %arg7[%get3A_43, %get3A_44] : memref<32x8192xf32, #tpu.memory_space<vmem>>, vector<32x8192xf32>
    %convert_element_type3A_46 = arith.truncf %get3A_45 : vector<32x8192xf32> to vector<32x8192xbf16>
    %bitcast_convert_type3A_47 = tpu.bitcast %convert_element_type3A_46 : vector<32x8192xbf16> -> vector<32x8192xi16>
    %convert_element_type3A_48 = arith.extui %bitcast_convert_type3A_47 : vector<32x8192xi16> to vector<32x8192xi32>
    %get3A_49 = arith.constant 0 : index
    %get3A_50 = arith.constant 0 : index
    %get3A_51 = vector.load %arg8[%get3A_49, %get3A_50] : memref<32x8192xf32, #tpu.memory_space<vmem>>, vector<32x8192xf32>
    %convert_element_type3A_52 = arith.truncf %get3A_51 : vector<32x8192xf32> to vector<32x8192xbf16>
    %bitcast_convert_type3A_53 = tpu.bitcast %convert_element_type3A_52 : vector<32x8192xbf16> -> vector<32x8192xi16>
    %convert_element_type3A_54 = arith.extui %bitcast_convert_type3A_53 : vector<32x8192xi16> to vector<32x8192xi32>
    %shift_left3A_55 = arith.constant 16 : i32
    %shift_left3A_56 = vector.broadcast %shift_left3A_55 : i32 to vector<32x8192xi32>
    %shift_left3A_57 = arith.shli %convert_element_type3A_54, %shift_left3A_56 : vector<32x8192xi32>
    %or3A_58 = arith.ori %convert_element_type3A_48, %shift_left3A_57 : vector<32x8192xi32>
    %concatenate3A = tpu.concatenate %or3A, %or3A_26, %or3A_42, %or3A_58 in 0 : vector<32x8192xi32>, vector<32x8192xi32>, vector<32x8192xi32>, vector<32x8192xi32> -> vector<128x8192xi32>
    %transpose3A = tpu.transpose %concatenate3A, [1, 0] : vector<128x8192xi32> -> vector<8192x128xi32>
    %bitcast_convert_type3A_59 = tpu.bitcast %transpose3A : vector<8192x128xi32> -> vector<8192x128xf32>
    %swap3A = arith.constant 0 : index
    %swap3A_60 = arith.constant 0 : index
    %swap3A_61 = vector.load %arg9[%swap3A, %swap3A_60] : memref<8192x128xf32, #tpu.memory_space<vmem>>, vector<8192x128xf32>
    tpu.vector_store %arg9[%swap3A, %swap3A_60], %bitcast_convert_type3A_59 {strides = array<i32>} : memref<8192x128xf32, #tpu.memory_space<vmem>>, vector<8192x128xf32>,
    return
  }
  func.func @transform_0(%arg0: i32) -> (i32, i32) {
    %add3A = arith.constant 0 : i32
    %add3A_0 = arith.addi %add3A, %arg0 : i32
    %min3A = arith.constant 122 : i32
    %min3A_1 = arith.minsi %add3A_0, %min3A : i32
    %c0_i32 = arith.constant 0 : i32
    %c0_i32_2 = arith.constant 0 : i32
    return %c0_i32, %min3A_1 : i32, i32
  }
  func.func @transform_1(%arg0: i32) -> (i32, i32) {
    %add3A = arith.constant 16 : i32
    %add3A_0 = arith.addi %add3A, %arg0 : i32
    %min3A = arith.constant 122 : i32
    %min3A_1 = arith.minsi %add3A_0, %min3A : i32
    %c0_i32 = arith.constant 0 : i32
    %c0_i32_2 = arith.constant 0 : i32
    return %c0_i32, %min3A_1 : i32, i32
  }
  func.func @transform_2(%arg0: i32) -> (i32, i32) {
    %add3A = arith.constant 32 : i32
    %add3A_0 = arith.addi %add3A, %arg0 : i32
    %min3A = arith.constant 122 : i32
    %min3A_1 = arith.minsi %add3A_0, %min3A : i32
    %c0_i32 = arith.constant 0 : i32
    %c0_i32_2 = arith.constant 0 : i32
    return %c0_i32, %min3A_1 : i32, i32
  }
  func.func @transform_3(%arg0: i32) -> (i32, i32) {
    %add3A = arith.constant 48 : i32
    %add3A_0 = arith.addi %add3A, %arg0 : i32
    %min3A = arith.constant 122 : i32
    %min3A_1 = arith.minsi %add3A_0, %min3A : i32
    %c0_i32 = arith.constant 0 : i32
    %c0_i32_2 = arith.constant 0 : i32
    return %c0_i32, %min3A_1 : i32, i32
  }
  func.func @transform_4(%arg0: i32) -> (i32, i32) {
    %add3A = arith.constant 64 : i32
    %add3A_0 = arith.addi %add3A, %arg0 : i32
    %min3A = arith.constant 122 : i32
    %min3A_1 = arith.minsi %add3A_0, %min3A : i32
    %c0_i32 = arith.constant 0 : i32
    %c0_i32_2 = arith.constant 0 : i32
    return %c0_i32, %min3A_1 : i32, i32
  }
  func.func @transform_5(%arg0: i32) -> (i32, i32) {
    %add3A = arith.constant 80 : i32
    %add3A_0 = arith.addi %add3A, %arg0 : i32
    %min3A = arith.constant 122 : i32
    %min3A_1 = arith.minsi %add3A_0, %min3A : i32
    %c0_i32 = arith.constant 0 : i32
    %c0_i32_2 = arith.constant 0 : i32
    return %c0_i32, %min3A_1 : i32, i32
  }
  func.func @transform_6(%arg0: i32) -> (i32, i32) {
    %add3A = arith.constant 96 : i32
    %add3A_0 = arith.addi %add3A, %arg0 : i32
    %min3A = arith.constant 122 : i32
    %min3A_1 = arith.minsi %add3A_0, %min3A : i32
    %c0_i32 = arith.constant 0 : i32
    %c0_i32_2 = arith.constant 0 : i32
    return %c0_i32, %min3A_1 : i32, i32
  }
  func.func @transform_7(%arg0: i32) -> (i32, i32) {
    %add3A = arith.constant 112 : i32
    %add3A_0 = arith.addi %add3A, %arg0 : i32
    %min3A = arith.constant 122 : i32
    %min3A_1 = arith.minsi %add3A_0, %min3A : i32
    %c0_i32 = arith.constant 0 : i32
    %c0_i32_2 = arith.constant 0 : i32
    return %c0_i32, %min3A_1 : i32, i32
  }
  func.func @transform_8(%arg0: i32) -> (i32, i32) {
    %c0_i32 = arith.constant 0 : i32
    %c0_i32_0 = arith.constant 0 : i32
    return %arg0, %c0_i32 : i32, i32
  }
}

module attributes {stable_mosaic.version = 14 : i64} {
  func.func @body(%arg0: i32, %arg1: memref<4096x1xi32, #tpu.memory_space<vmem>>, %arg2: memref<4096x128xf32, #tpu.memory_space<vmem>>, %arg3: memref<32x64xf32, #tpu.memory_space<vmem>>, %arg4: memref<64x1xf32, #tpu.memory_space<vmem>>, %arg5: memref<64x4096xf32, #tpu.memory_space<vmem>>) attributes {dimension_semantics = [#tpu.dimension_semantics<arbitrary>], iteration_bounds = array<i64: 4>, scalar_prefetch = 0 : i64, scratch_operands = 0 : i64, tpu.core_type = #tpu.core_type<tc>, window_params = [{transform_indices = @transform_0, window_bounds = array<i64: 4096, 1>}, {transform_indices = @transform_1, window_bounds = array<i64: 4096, 128>}, {pipeline_mode = #tpu.pipeline_mode<synchronous>, transform_indices = @transform_2, window_bounds = array<i64: 32, 64>}, {pipeline_mode = #tpu.pipeline_mode<synchronous>, transform_indices = @transform_3, window_bounds = array<i64: 64, 1>}, {transform_indices = @transform_4, window_bounds = array<i64: 64, 4096>}]} {
    %get3A = arith.constant 0 : index
    %get3A_0 = arith.constant 0 : index
    %get3A_1 = vector.load %arg2[%get3A, %get3A_0] : memref<4096x128xf32, #tpu.memory_space<vmem>>, vector<4096x128xf32>
    %bitcast_convert_type3A = tpu.bitcast %get3A_1 : vector<4096x128xf32> -> vector<4096x128xi32>
    %get3A_2 = arith.constant 0 : index
    %get3A_3 = arith.constant 0 : index
    %get3A_4 = vector.load %arg1[%get3A_2, %get3A_3] : memref<4096x1xi32, #tpu.memory_space<vmem>>, vector<4096x1xi32>
    %jit3A = arith.constant 2 : i32
    %eq3A = arith.constant 0 : i32
    %eq3A_5 = arith.cmpi eq, %jit3A, %eq3A : i32
    %jit3A_6 = arith.constant 1 : i32
    %select_n3A = arith.select %eq3A_5, %jit3A_6, %jit3A : i32
    %rem3A = vector.broadcast %select_n3A : i32 to vector<4096x1xi32>
    %rem3A_7 = arith.remsi %get3A_4, %rem3A : vector<4096x1xi32>
    %ne3A = arith.constant 0 : i32
    %ne3A_8 = vector.broadcast %ne3A : i32 to vector<4096x1xi32>
    %ne3A_9 = arith.cmpi ne, %rem3A_7, %ne3A_8 : vector<4096x1xi32>
    %lt3A = arith.constant 0 : i32
    %lt3A_10 = vector.broadcast %lt3A : i32 to vector<4096x1xi32>
    %lt3A_11 = arith.cmpi slt, %rem3A_7, %lt3A_10 : vector<4096x1xi32>
    %lt3A_12 = arith.constant 0 : i32
    %lt3A_13 = arith.cmpi slt, %select_n3A, %lt3A_12 : i32
    %ne3A_14 = vector.broadcast %lt3A_13 : i1 to vector<4096x1xi1>
    %ne3A_15 = vector.broadcast %ne3A_14 : vector<4096x1xi1> to vector<4096x1xi1>
    %ne3A_16 = arith.xori %lt3A_11, %ne3A_15 : vector<4096x1xi1>
    %and3A = arith.andi %ne3A_16, %ne3A_9 : vector<4096x1xi1>
    %add3A = vector.broadcast %select_n3A : i32 to vector<4096x1xi32>
    %add3A_17 = arith.addi %rem3A_7, %add3A : vector<4096x1xi32>
    %select_n3A_18 = arith.select %and3A, %add3A_17, %rem3A_7 : vector<4096x1xi1>, vector<4096x1xi32>
    %eq3A_19 = arith.constant 1 : i32
    %eq3A_20 = vector.broadcast %eq3A_19 : i32 to vector<4096x1xi32>
    %eq3A_21 = arith.cmpi eq, %select_n3A_18, %eq3A_20 : vector<4096x1xi32>
    %and3A_22 = arith.constant -65536 : i32
    %and3A_23 = vector.broadcast %and3A_22 : i32 to vector<4096x128xi32>
    %and3A_24 = arith.andi %bitcast_convert_type3A, %and3A_23 : vector<4096x128xi32>
    %shift_left3A = arith.constant 16 : i32
    %shift_left3A_25 = vector.broadcast %shift_left3A : i32 to vector<4096x128xi32>
    %shift_left3A_26 = arith.shli %bitcast_convert_type3A, %shift_left3A_25 : vector<4096x128xi32>
    %broadcast_in_dim3A = vector.shape_cast %eq3A_21 : vector<4096x1xi1> to vector<4096x1xi1>
    %broadcast_in_dim3A_27 = vector.broadcast %broadcast_in_dim3A : vector<4096x1xi1> to vector<4096x128xi1>
    %select_n3A_28 = arith.select %broadcast_in_dim3A_27, %and3A_24, %shift_left3A_26 : vector<4096x128xi1>, vector<4096x128xi32>
    %bitcast_convert_type3A_29 = tpu.bitcast %select_n3A_28 : vector<4096x128xi32> -> vector<4096x128xf32>
    %jit3A_30 = arith.constant 2 : i32
    %div3A = vector.broadcast %jit3A_30 : i32 to vector<4096x1xi32>
    %div3A_31 = arith.divsi %get3A_4, %div3A : vector<4096x1xi32>
    %sign3A = arith.constant 0 : i32
    %sign3A_32 = vector.broadcast %sign3A : i32 to vector<4096x1xi32>
    %sign3A_33 = arith.cmpi sgt, %get3A_4, %sign3A_32 : vector<4096x1xi32>
    %sign3A_34 = arith.extui %sign3A_33 : vector<4096x1xi1> to vector<4096x1xi32>
    %sign3A_35 = arith.constant 0 : i32
    %sign3A_36 = vector.broadcast %sign3A_35 : i32 to vector<4096x1xi32>
    %sign3A_37 = arith.cmpi slt, %get3A_4, %sign3A_36 : vector<4096x1xi32>
    %sign3A_38 = arith.extui %sign3A_37 : vector<4096x1xi1> to vector<4096x1xi32>
    %sign3A_39 = arith.subi %sign3A_34, %sign3A_38 : vector<4096x1xi32>
    %sign3A_40 = arith.constant 0 : i32
    %sign3A_41 = arith.cmpi sgt, %jit3A_30, %sign3A_40 : i32
    %sign3A_42 = arith.extui %sign3A_41 : i1 to i32
    %sign3A_43 = arith.constant 0 : i32
    %sign3A_44 = arith.cmpi slt, %jit3A_30, %sign3A_43 : i32
    %sign3A_45 = arith.extui %sign3A_44 : i1 to i32
    %sign3A_46 = arith.subi %sign3A_42, %sign3A_45 : i32
    %ne3A_47 = vector.broadcast %sign3A_46 : i32 to vector<4096x1xi32>
    %ne3A_48 = arith.cmpi ne, %sign3A_39, %ne3A_47 : vector<4096x1xi32>
    %rem3A_49 = vector.broadcast %jit3A_30 : i32 to vector<4096x1xi32>
    %rem3A_50 = arith.remsi %get3A_4, %rem3A_49 : vector<4096x1xi32>
    %ne3A_51 = arith.constant 0 : i32
    %ne3A_52 = vector.broadcast %ne3A_51 : i32 to vector<4096x1xi32>
    %ne3A_53 = arith.cmpi ne, %rem3A_50, %ne3A_52 : vector<4096x1xi32>
    %and3A_54 = arith.andi %ne3A_48, %ne3A_53 : vector<4096x1xi1>
    %sub3A = arith.constant 1 : i32
    %sub3A_55 = vector.broadcast %sub3A : i32 to vector<4096x1xi32>
    %sub3A_56 = arith.subi %div3A_31, %sub3A_55 : vector<4096x1xi32>
    %select_n3A_57 = arith.select %and3A_54, %sub3A_56, %div3A_31 : vector<4096x1xi1>, vector<4096x1xi32>
    %broadcast_in_dim3A_58 = arith.constant 0.000000e+00 : f32
    %broadcast_in_dim3A_59 = vector.broadcast %broadcast_in_dim3A_58 : f32 to vector<4096x32xf32>
    %eq3A_60 = arith.constant 0 : i32
    %eq3A_61 = vector.broadcast %eq3A_60 : i32 to vector<4096x1xi32>
    %eq3A_62 = arith.cmpi eq, %select_n3A_57, %eq3A_61 : vector<4096x1xi32>
    %slice3A = vector.extract_strided_slice %bitcast_convert_type3A_29 {offsets = [0, 0], sizes = [4096, 32], strides = [1, 1]} : vector<4096x128xf32> to vector<4096x32xf32>
    %jit3A_63 = arith.constant 0.000000e+00 : f32
    %broadcast_in_dim3A_64 = vector.shape_cast %eq3A_62 : vector<4096x1xi1> to vector<4096x1xi1>
    %broadcast_in_dim3A_65 = vector.broadcast %broadcast_in_dim3A_64 : vector<4096x1xi1> to vector<4096x32xi1>
    %broadcast_in_dim3A_66 = vector.broadcast %jit3A_63 : f32 to vector<4096x32xf32>
    %select_n3A_67 = arith.select %broadcast_in_dim3A_65, %slice3A, %broadcast_in_dim3A_66 : vector<4096x32xi1>, vector<4096x32xf32>
    %add3A_68 = arith.addf %broadcast_in_dim3A_59, %select_n3A_67 : vector<4096x32xf32>
    %eq3A_69 = arith.constant 1 : i32
    %eq3A_70 = vector.broadcast %eq3A_69 : i32 to vector<4096x1xi32>
    %eq3A_71 = arith.cmpi eq, %select_n3A_57, %eq3A_70 : vector<4096x1xi32>
    %slice3A_72 = vector.extract_strided_slice %bitcast_convert_type3A_29 {offsets = [0, 32], sizes = [4096, 32], strides = [1, 1]} : vector<4096x128xf32> to vector<4096x32xf32>
    %jit3A_73 = arith.constant 0.000000e+00 : f32
    %broadcast_in_dim3A_74 = vector.shape_cast %eq3A_71 : vector<4096x1xi1> to vector<4096x1xi1>
    %broadcast_in_dim3A_75 = vector.broadcast %broadcast_in_dim3A_74 : vector<4096x1xi1> to vector<4096x32xi1>
    %broadcast_in_dim3A_76 = vector.broadcast %jit3A_73 : f32 to vector<4096x32xf32>
    %select_n3A_77 = arith.select %broadcast_in_dim3A_75, %slice3A_72, %broadcast_in_dim3A_76 : vector<4096x32xi1>, vector<4096x32xf32>
    %add3A_78 = arith.addf %add3A_68, %select_n3A_77 : vector<4096x32xf32>
    %eq3A_79 = arith.constant 2 : i32
    %eq3A_80 = vector.broadcast %eq3A_79 : i32 to vector<4096x1xi32>
    %eq3A_81 = arith.cmpi eq, %select_n3A_57, %eq3A_80 : vector<4096x1xi32>
    %slice3A_82 = vector.extract_strided_slice %bitcast_convert_type3A_29 {offsets = [0, 64], sizes = [4096, 32], strides = [1, 1]} : vector<4096x128xf32> to vector<4096x32xf32>
    %jit3A_83 = arith.constant 0.000000e+00 : f32
    %broadcast_in_dim3A_84 = vector.shape_cast %eq3A_81 : vector<4096x1xi1> to vector<4096x1xi1>
    %broadcast_in_dim3A_85 = vector.broadcast %broadcast_in_dim3A_84 : vector<4096x1xi1> to vector<4096x32xi1>
    %broadcast_in_dim3A_86 = vector.broadcast %jit3A_83 : f32 to vector<4096x32xf32>
    %select_n3A_87 = arith.select %broadcast_in_dim3A_85, %slice3A_82, %broadcast_in_dim3A_86 : vector<4096x32xi1>, vector<4096x32xf32>
    %add3A_88 = arith.addf %add3A_78, %select_n3A_87 : vector<4096x32xf32>
    %eq3A_89 = arith.constant 3 : i32
    %eq3A_90 = vector.broadcast %eq3A_89 : i32 to vector<4096x1xi32>
    %eq3A_91 = arith.cmpi eq, %select_n3A_57, %eq3A_90 : vector<4096x1xi32>
    %slice3A_92 = vector.extract_strided_slice %bitcast_convert_type3A_29 {offsets = [0, 96], sizes = [4096, 32], strides = [1, 1]} : vector<4096x128xf32> to vector<4096x32xf32>
    %jit3A_93 = arith.constant 0.000000e+00 : f32
    %broadcast_in_dim3A_94 = vector.shape_cast %eq3A_91 : vector<4096x1xi1> to vector<4096x1xi1>
    %broadcast_in_dim3A_95 = vector.broadcast %broadcast_in_dim3A_94 : vector<4096x1xi1> to vector<4096x32xi1>
    %broadcast_in_dim3A_96 = vector.broadcast %jit3A_93 : f32 to vector<4096x32xf32>
    %select_n3A_97 = arith.select %broadcast_in_dim3A_95, %slice3A_92, %broadcast_in_dim3A_96 : vector<4096x32xi1>, vector<4096x32xf32>
    %add3A_98 = arith.addf %add3A_88, %select_n3A_97 : vector<4096x32xf32>
    %get3A_99 = arith.constant 0 : index
    %get3A_100 = arith.constant 0 : index
    %get3A_101 = vector.load %arg3[%get3A_99, %get3A_100] : memref<32x64xf32, #tpu.memory_space<vmem>>, vector<32x64xf32>
    %dot_general3A = arith.constant dense<0.000000e+00> : vector<64x4096xf32>
    %dot_general3A_102 = tpu.matmul %get3A_101, %add3A_98, %dot_general3A {dimension_numbers = #tpu.dot_dimension_numbers<[0], [1], [1], [0], [0, 1, 1, 0], [], []>, transpose_lhs_hint = false} : vector<32x64xf32>, vector<4096x32xf32>, vector<64x4096xf32> -> vector<64x4096xf32>
    %get3A_103 = arith.constant 0 : index
    %get3A_104 = arith.constant 0 : index
    %get3A_105 = vector.load %arg4[%get3A_103, %get3A_104] : memref<64x1xf32, #tpu.memory_space<vmem>>, vector<64x1xf32>
    %add3A_106 = vector.broadcast %get3A_105 : vector<64x1xf32> to vector<64x4096xf32>
    %add3A_107 = arith.addf %dot_general3A_102, %add3A_106 : vector<64x4096xf32>
    %swap3A = arith.constant 0 : index
    %swap3A_108 = arith.constant 0 : index
    %swap3A_109 = vector.load %arg5[%swap3A, %swap3A_108] : memref<64x4096xf32, #tpu.memory_space<vmem>>, vector<64x4096xf32>
    tpu.vector_store %arg5[%swap3A, %swap3A_108], %add3A_107 {strides = array<i32>} : memref<64x4096xf32, #tpu.memory_space<vmem>>, vector<64x4096xf32>,
    return
  }
  func.func @transform_0(%arg0: i32) -> (i32, i32) {
    %c0_i32 = arith.constant 0 : i32
    %c0_i32_0 = arith.constant 0 : i32
    return %arg0, %c0_i32 : i32, i32
  }
  func.func @transform_1(%arg0: i32) -> (i32, i32) {
    %c0_i32 = arith.constant 0 : i32
    %c0_i32_0 = arith.constant 0 : i32
    return %arg0, %c0_i32 : i32, i32
  }
  func.func @transform_2(%arg0: i32) -> (i32, i32) {
    %c0_i32 = arith.constant 0 : i32
    %c0_i32_0 = arith.constant 0 : i32
    %c0_i32_1 = arith.constant 0 : i32
    return %c0_i32, %c0_i32_0 : i32, i32
  }
  func.func @transform_3(%arg0: i32) -> (i32, i32) {
    %c0_i32 = arith.constant 0 : i32
    %c0_i32_0 = arith.constant 0 : i32
    %c0_i32_1 = arith.constant 0 : i32
    return %c0_i32, %c0_i32_0 : i32, i32
  }
  func.func @transform_4(%arg0: i32) -> (i32, i32) {
    %c0_i32 = arith.constant 0 : i32
    %c0_i32_0 = arith.constant 0 : i32
    return %c0_i32, %arg0 : i32, i32
  }
}

</mosaic_0001>

<sc_bundles>
// kernel: kernel.5.cloned.1.call-start
scs
__scs_entry_jumppad:
0x0: {  	(pc) =	sbr.rel $0x88, $3  }
0x1: {  	(tag) =	ssettag $0x0;
	lr =	simm.s32 $0x1  }
0x2: {  	[smem:$0x3F9D] =	sst lr;
	_ =	strace $0xD0000000  }
0x3: {  	_ = 	snop  }
0x4: {  	_ = 	snop  }
0x5: {  	_ = 	snop  }
0x6: {  	_ = 	snop  }
0x7: {  	_ = 	snop  }
__scs_overlays_trampoline_lowered:
0x8: {  	[smem:$0x3FAC] =	sst s0  }
0x9: {  	[smem:$0x3FAD] =	sst s1  }
0xa: {  	[smem:$0x3FAE] =	sst s2  }
0xb: {  	[smem:$0x3FAF] =	sst s3  }
0xc: {  	[smem:$0x3FB0] =	sst s4  }
0xd: {  	[smem:$0x3FB1] =	sst s5  }
0xe: {  	[smem:$0x3FB2] =	sst s6  }
0xf: {  	[smem:$0x3FB3] =	sst s7  }
0x10: {  	[smem:$0x3FB4] =	sst s8  }
0x11: {  	[smem:$0x3FB5] =	sst s9;
	s0 =	simm.s32 @!p0 $0x0  }
0x12: {  	s1 =	sld [smem:$0x3F9B];
	s0 =	simm.s32 @p0 $0x1  }
0x13: {  	[smem:$0x3FB6] =	sst s0;
	s0 =	simm.s32 @!p1 $0x0  }
0x14: {  	s2 =	sld [smem:$0x3F9A];
	s0 =	simm.s32 @p1 $0x1  }
0x15: {  	[smem:$0x3FB7] =	sst s0;
	s0 =	simm.s32 @!p2 $0x0  }
0x16: {  	s3 =	sld [smem:$0x3FDB];
	s0 =	simm.s32 @p2 $0x1  }
0x17: {  	s4 =	simm.s32 $0x1BF5;
	[smem:$0x3FB9] =	sst s0  }
0x18: {  	s0 =	sld [smem:$0x3F9C];
	_ =	swait.ge [sflag:s4], $0x0  }
0x19: {  	s7 =	sld [smem:$0x3F9D]  }
0x1a: {  	s8 =	sadd.s32 $0xFFFFE003, lr  }
0x1b: {  	s9 =	sadd.s32 $0xFFFFFEF7, lr;
	s5 =	simm.s32 $0xFFFFFFFF;
	p2 =	slt.u32 s8, $0xFFFFF086  }
0x1c: {  	p1 =	slt.u32 s9, $0xF7A;
	s5 =	simm.s32 @!p2 $0x0  }
0x1d: {  	s5 =	simm.s32 @p1 $0x1;
	p0 =	seq.s32 s7, s2  }
0x1e: {  	s7 =	smul.u32 @!p0 $0xF7A, s2;
	p2 =	seq.s32 @!p0 s5, $0x0  }
0x1f: {  	s9 =	smul.u32 $0xF7A, s1;
	s8 =	simm.s32 @!p0 $0x1BF5;
	p2 =	por !p2, p0  }
0x20: {  	[sflag:s8] =	ssyncset.s32 @!p0 $0xFFFFF086;
	s6 =	sadd.s32 @!p0 s3, s7;
	s7 =	simm.s32 @!p0 $0x108  }
0x21: {  	s3 =	sadd.s32 s3, s9;
	s6 =	sadd.s32 @!p0 $0x88, s6;
	s7 =	simm.s32 @p2 $0x1082  }
0x22: {  	[simem:s7], [sflag:s8] =	dma.local @!p0 [hbm:s6], $0xF7A  }
0x23: {  	s9 =	sor.u32 $0xD0000000, s2;
	s6 =	simm.s32 $0x108;
	_ =	swait.ge @!p0 [sflag:s8], $0x0  }
0x24: {  	s3 =	sadd.s32 $0x88, s3;
	s6 =	simm.s32 @!p1 $0x1082;
	[sflag:s4] =	ssyncset.s32 $0xFFFFF086  }
0x25: {  	[simem:s6], [sflag:s4] =	dma.local [hbm:s3], $0xF7A  }
0x26: {  	[smem:$0x3F9D] =	sst s1;
	(tag) =	ssettag s2;
	_ =	strace s9  }
0x27: {  	s1 =	sld [smem:$0x3FAD]  }
0x28: {  	s2 =	sld [smem:$0x3FAE]  }
0x29: {  	s4 =	sld [smem:$0x3FB0]  }
0x2a: {  	p0 =	seq.s32 s5, $0x0;
	s5 =	sld [smem:$0x3FB1]  }
0x2b: {  	s6 =	sld [smem:$0x3FB2]  }
0x2c: {  	s7 =	sld [smem:$0x3FB3]  }
0x2d: {  	s3 =	simm.s32 $0x108;
	s8 =	sld [smem:$0x3FB4]  }
0x2e: {  	s3 =	simm.s32 @!p0 $0x1082;
	s9 =	sld [smem:$0x3FB5]  }
0x2f: {  	lr =	sadd.s32 s0, s3;
	s0 =	sld [smem:$0x3FAC]  }
0x30: {  	s3 =	sld [smem:$0x3FAF]  }
0x31: {  	[smem:$0x3FB8] =	sst s10  }
0x32: {  	s10 =	sld [smem:$0x3FB6];
	_ =	sdelay $0x3  }
0x33: {  	p0 =	seq.s32 s10, $0x1;
	s10 =	sld [smem:$0x3FB8];
	_ =	sdelay $0x3  }
0x34: {  	[smem:$0x3FB8] =	sst s10  }
0x35: {  	s10 =	sld [smem:$0x3FB7];
	_ =	sdelay $0x3  }
0x36: {  	p1 =	seq.s32 s10, $0x1;
	s10 =	sld [smem:$0x3FB8];
	_ =	sdelay $0x3  }
0x37: {  	[smem:$0x3FB8] =	sst s10  }
0x38: {  	s10 =	sld [smem:$0x3FB9]  }
0x39: {  	_ = 	snop;
	(pc) =	sbr.ind lr, $3  }
0x3a: {  	_ = 	snop  }
0x3b: {  	_ = 	snop  }
0x3c: {  	p2 =	seq.s32 s10, $0x1;
	s10 =	sld [smem:$0x3FB8]  }
0x3d: {  	_ =	shalt  }
0x3e: {  	_ =	shalt  }
0x3f: {  	_ =	shalt  }
0x40: {  	_ =	shalt  }
0x41: {  	_ =	shalt  }
0x42: {  	_ =	shalt  }
0x43: {  	_ =	shalt  }
0x44: {  	_ =	shalt  }
0x45: {  	_ =	shalt  }
0x46: {  	_ =	shalt  }
0x47: {  	_ =	shalt  }
0x48: {  	_ =	shalt  }
0x49: {  	_ =	shalt  }
0x4a: {  	_ =	shalt  }
0x4b: {  	_ =	shalt  }
0x4c: {  	_ =	shalt  }
0x4d: {  	_ =	shalt  }
0x4e: {  	_ =	shalt  }
0x4f: {  	_ =	shalt  }
0x50: {  	_ =	shalt  }
0x51: {  	_ =	shalt  }
0x52: {  	_ =	shalt  }
0x53: {  	_ =	shalt  }
0x54: {  	_ =	shalt  }
0x55: {  	_ =	shalt  }
0x56: {  	_ =	shalt  }
0x57: {  	_ =	shalt  }
0x58: {  	_ =	shalt  }
0x59: {  	_ =	shalt  }
0x5a: {  	_ =	shalt  }
0x5b: {  	_ =	shalt  }
0x5c: {  	_ =	shalt  }
0x5d: {  	_ =	shalt  }
0x5e: {  	_ =	shalt  }
0x5f: {  	_ =	shalt  }
0x60: {  	_ =	shalt  }
0x61: {  	_ =	shalt  }
0x62: {  	_ =	shalt  }
0x63: {  	_ =	shalt  }
0x64: {  	_ =	shalt  }
0x65: {  	_ =	shalt  }
0x66: {  	_ =	shalt  }
0x67: {  	_ =	shalt  }
0x68: {  	_ =	shalt  }
0x69: {  	_ =	shalt  }
0x6a: {  	_ =	shalt  }
0x6b: {  	_ =	shalt  }
0x6c: {  	_ =	shalt  }
0x6d: {  	_ =	shalt  }
0x6e: {  	_ =	shalt  }
0x6f: {  	_ =	shalt  }
0x70: {  	_ =	shalt  }
0x71: {  	_ =	shalt  }
0x72: {  	_ =	shalt  }
0x73: {  	_ =	shalt  }
0x74: {  	_ =	shalt  }
0x75: {  	_ =	shalt  }
0x76: {  	_ =	shalt  }
0x77: {  	_ =	shalt  }
0x78: {  	_ =	shalt  }
0x79: {  	_ =	shalt  }
0x7a: {  	_ =	shalt  }
0x7b: {  	_ =	shalt  }
0x7c: {  	_ =	shalt  }
0x7d: {  	_ =	shalt  }
0x7e: {  	_ =	shalt  }
0x7f: {  	_ =	shalt  }
0x80: {  	_ =	shalt  }
0x81: {  	_ =	shalt  }
0x82: {  	_ =	shalt  }
0x83: {  	_ =	shalt  }
0x84: {  	_ =	shalt  }
0x85: {  	_ =	shalt  }
0x86: {  	_ =	shalt  }
0x87: {  	_ =	shalt  }
.Lfunc_end0:
.L_simem_size_0:
called_computation_lowered:
.L_overlay_start_0:
0x88: {  	s2 =	sld [smem:$0x3FD9]  }
0x89: {  	s3 =	sld [smem:$0x3FFE];
	_ =	sdelay $0x1  }
0x8a: {  	s1 =	srdreg.scid  }
0x8b: {  	s0 =	sand.u32 $0x1, s1  }
0x8c: {  	s17 =	sshll.u32 s0, $0xA;
	s2 =	sadd.s32 s3, s2  }
0x8d: {  	s2 =	sadd.s32 s2, s17  }
0x8e: {  	[smem:$0x3FC4] =	sst s2  }
0x8f: {  	_ = 	snop  }
0x90: {  	s2 =	sld [smem:$0x3FD0];
	(tm) =	ssettm $0x1  }
0x91: {  	s18 =	sld [smem:$0x3FFB];
	_ =	sdelay $0x3  }
0x92: {  	_ =	strace s18  }
0x93: {  	s3 =	sld [smem:$0x3FFC];
	_ =	sdelay $0x3  }
0x94: {  	_ =	strace s3  }
0x95: {  	s3 =	sld [smem:$0x3FFD];
	_ =	sdelay $0x3  }
0x96: {  	_ =	strace s3  }
0x97: {  	_ =	strace $0x8FFFFFFF  }
0x98: {  	s19 =	sld [smem:$0x3FDB];
	_ =	sdelay $0x1  }
0x99: {  	s4 =	simm.s32 $_scs_section_size  }
0x9a: {  	s5 =	simm.s32 $_size__tile_overlayer_lowered;
	s6 =	simm.s32 $_tile_overlayer_lowered  }
0x9b: {  	s22 =	simm.s32 $0x1BFF;
	s21 =	sshll.u32 s6, $0x1;
	s3 =	sadd.s32 s4, s19  }
0x9c: {  	s7 =	simm.s32 $0x0;
	s20 =	sshll.u32 s5, $0x1;
	s5 =	sadd.s32 s21, s3  }
0x9d: {  	[timem:s7], [sflag:s22] =	dma.local [hbm:s5], s20  }
0x9e: {  	_ =	swait.ge [sflag:s22], s20  }
0x9f: {  	s4 =	ssub.s32 $0x0, s20;
	[sflag:s22] =	ssyncset.done $0x0  }
0xa0: {  	[sflag:s22] =	ssyncadd.s32 s4;
	_ =	sdelay $0x1  }
0xa1: {  	s23 =	simm.s32 $0x1B8B  }
0xa2: {  	_ =	swait.ge [sflag:s23], $0x1  }
0xa3: {  	[sflag:s23] =	ssyncset.done $0x0  }
0xa4: {  	s25 =	simm.s32 $0x1B8E;
	s24 =	sld [smem:$0x3FFE];
	[sflag:s23] =	ssyncadd.s32 $0xFFFFFFFF  }
0xa5: {  	s26 =	simm.s32 $execute0_lowered;
	[smem:$0x3FD2] =	sst s25  }
0xa6: {  	s5 =	sshll.u32 s26, $0x1;
	_ =	strace $0x80000046;
	[dreg:$0x1] =	wrdreg $0xFFFFFFFF  }
0xa7: {  	s28 =	simm.s32 $_size_execute0_lowered;
	s3 =	sadd.s32 s3, s5;
	[dreg:$0x0] =	wrdreg $0x0  }
0xa8: {  	s5 =	sshll.u32 s28, $0x1;
	[dreg:$0x2] =	wrdreg s3  }
0xa9: {  	[dreg:$0x3] =	wrdreg s5  }
0xaa: {  	[dreg:$0x4] =	wrdreg $0xC0  }
0xab: {  	_ =	task [dreg:s7], $0x5FFFF  }
0xac: {  	[dreg:$0x1] =	wrdreg $0xFFFFFFFF  }
0xad: {  	[dreg:$0x0] =	wrdreg $0x60  }
0xae: {  	[dreg:$0x2] =	wrdreg s24  }
0xaf: {  	[dreg:$0x3] =	wrdreg s2  }
0xb0: {  	[dreg:$0x4] =	wrdreg $0x9  }
0xb1: {  	_ =	task.clear_ibuf [dreg:s7], $0x5FFFF;
	_ =	strace $0x90000046  }
0xb2: {  	s29 =	simm.s32 $0x9;
	_ =	strace $0x80000048  }
0xb3: {  	_ =	swait.ge [sflag:s29], $0x1  }
0xb4: {  	[sflag:s29] =	ssyncadd.s32 $0xFFFFFFFF  }
0xb5: {  	_ =	strace $0x90000048  }
0xb6: {  	_ =	sfence  }
0xb7: {  	s30 =	sld [smem:$0x0];
	_ =	sdelay $0x2  }
0xb8: {  	s31 =	sshll.u32 s1, $0xD;
	s1 =	sshrl.u32 s1, $0x2  }
0xb9: {  	s3 =	sand.u32 $0x4000, s31;
	s1 =	sadd.s32 s1, s30  }
0xba: {  	s0 =	sor.u32 s3, s0;
	s1 =	sshll.u32 s1, $0x11  }
0xbb: {  	s0 =	sor.u32 s1, s0  }
0xbc: {  	s0 =	sadd.s32 $0x8F2B, s0  }
0xbd: {  	[sflag:s0] =	ssyncadd.remote.s32 $0x1  }
0xbe: {  	_ =	sfence.sel $0xFFFF  }
0xbf: {  	[dreg:$0x0] =	wrdreg $0xFFFFFFFF;
	(pc) =	sbr.abs _section_cstart, $3  }
0xc0: {  	[dreg:$0x1] =	wrdreg $0xFFFFFFFF  }
0xc1: {  	_ =	task.clear_ibuf [dreg:s7], $0x2FFFF;
	_ =	strace $0x9FFFFFFF  }
0xc2: {  	(tm) =	ssettm $0x7FFFFFFF  }
0xc3: {  	_ =	shalt  }
tec
execute0_lowered:
.L_overlay_start_1:
0x0: {  	(tag) =	ssettag $0x1  }
0x1: {  	s1 =	srdreg.scid  }
0x2: {  	s14 =	rddreg [dreg:$0x0];
	s0 =	stileid.u32;
	s15 =	sand.u32 $0x1, s1  }
0x3: {  	s3 =	rddreg [dreg:$0x1];
	s4 =	sshll.u32 s0, $0xA;
	s5 =	sshll.u32 s15, $0x9  }
0x4: {  	s2 =	simm.s32 $0x0;
	s1 =	rddreg [dreg:$0x2];
	s16 =	sor.u32 s5, s4  }
0x5: {  	[smem:$0x7FF] =	sst s2;
	s4 =	sshrl.u32 s16, $0x3  }
0x6: {  	_ =	strace $0x80000047;
	s4 =	sadd.s32 s3, s4;
	s3 =	simm.s32 $0x2  }
0x7: {  	[tilespmem:s2], [sflag:$0x2] =	stream.linear.gather [hbm4b:s4+s2], $0x200, $0x38;
	[tilespmem:$0x10200] =	vst v63  }
0x8: {  	_ =	swait.ge [sflag:s3], $0x200  }
0x9: {  	s6 =	simm.s32 $0x80;
	[sflag:s3] =	ssyncset.done $0x0  }
0xa: {  	s7 =	simm.s32 $0x200;
	s5 =	sadd.s32 $0x1600, s14;
	[sflag:s3] =	ssyncadd.s32 $0xFFFFFE00  }
0xb: {  	[tilespmem:s7], [sflag:$0x1] =	stream.indirect.gather [hbm4b:s5+s6], $0x80, s2, s6, $0xb8;
	[tilespmem:$0x10200] =	vst v63  }
0xc: {  	s8 =	simm.s32 $0x4200  }
0xd: {  	[tilespmem:s8], [sflag:$0x1] =	stream.indirect.gather [hbm4b:s5+s6], $0x80, s6, s6, $0xb8;
	[tilespmem:$0x10200] =	vst v63  }
0xe: {  	s9 =	simm.s32 $0x100;
	s10 =	simm.s32 $0x8200  }
0xf: {  	[tilespmem:s10], [sflag:$0x1] =	stream.indirect.gather [hbm4b:s5+s6], $0x80, s9, s6, $0xb8;
	[tilespmem:$0x10200] =	vst v63  }
0x10: {  	s11 =	simm.s32 $0x180;
	s12 =	simm.s32 $0xC200;
	s13 =	simm.s32 $0x1  }
0x11: {  	[tilespmem:s12], [sflag:$0x1] =	stream.indirect.gather [hbm4b:s5+s6], $0x80, s11, s6, $0xb8;
	[tilespmem:$0x10200] =	vst v63  }
0x12: {  	_ =	swait.ge [sflag:s13], $0x4000  }
0x13: {  	[sflag:s13] =	ssyncset.done $0x0  }
0x14: {  	[sflag:s13] =	ssyncadd.s32 $0xFFFFC000  }
0x15: {  	_ =	swait.ge [sflag:s13], $0x4000  }
0x16: {  	[sflag:s13] =	ssyncset.done $0x0  }
0x17: {  	s15 =	ssub.s32 $0x2, s15;
	[sflag:s13] =	ssyncadd.s32 $0xFFFFC000  }
0x18: {  	s17 =	sshrl.u32 s15, $0x1;
	_ =	swait.ge [sflag:s13], $0x4000  }
0x19: {  	s15 =	ssub.s32 s15, s17;
	[sflag:s13] =	ssyncset.done $0x0  }
0x1a: {  	s15 =	smax.u32 s15, $0x1;
	[sflag:s13] =	ssyncadd.s32 $0xFFFFC000  }
0x1b: {  	s16 =	sshll.u32 s16, $0x4;
	p0 =	sne.s32 s15, $0x1;
	_ =	swait.ge [sflag:s13], $0x4000  }
.Ltmp0:
0x1c: {  	s14 =	sadd.s32 s16, s14;
	[sflag:s13] =	ssyncset.done $0x0;
	(pc) =	sbr.rel @!p0 .LBB2_2-.Ltmp0, $4  }
0x1d: {  	s14 =	sadd.s32 $0x201600, s14;
	[sflag:s13] =	ssyncadd.s32 $0xFFFFC000  }
0x1e: {  	[hbm4b:s14+s2] =	stream.linear.scatter [tilespmem:s7], [sflag:$0x2], $0x10000, $0x38;
	[tilespmem:$0x10200] =	vst v63  }
0x1f: {  	_ =	swait.ge [sflag:s3], $0x10000  }
0x20: {  	s15 =	sadd.s32 $0xFFFFFFFF, s15;
	[sflag:s3] =	ssyncset.done $0x0  }
.LBB2_1:
0x21: {  	p0 =	sne.s32 s15, $0x1;
	s15 =	sadd.s32 $0xFFFFFFFF, s15;
	[sflag:s3] =	ssyncadd.s32 $0xFFFF0000  }
0x22: {  	[tilespmem:s2], [sflag:$0x2] =	stream.linear.gather [hbm4b:s4+s2], $0x200, $0x38;
	[tilespmem:$0x10200] =	vst v63  }
0x23: {  	_ =	swait.ge [sflag:s3], $0x200  }
0x24: {  	[sflag:s3] =	ssyncset.done $0x0  }
0x25: {  	[sflag:s3] =	ssyncadd.s32 $0xFFFFFE00  }
0x26: {  	[tilespmem:s7], [sflag:$0x1] =	stream.indirect.gather [hbm4b:s5+s6], $0x80, s2, s6, $0xb8;
	[tilespmem:$0x10200] =	vst v63  }
0x27: {  	_ = 	snop  }
0x28: {  	[tilespmem:s8], [sflag:$0x1] =	stream.indirect.gather [hbm4b:s5+s6], $0x80, s6, s6, $0xb8;
	[tilespmem:$0x10200] =	vst v63  }
0x29: {  	_ = 	snop  }
0x2a: {  	[tilespmem:s10], [sflag:$0x1] =	stream.indirect.gather [hbm4b:s5+s6], $0x80, s9, s6, $0xb8;
	[tilespmem:$0x10200] =	vst v63  }
0x2b: {  	_ = 	snop  }
0x2c: {  	[tilespmem:s12], [sflag:$0x1] =	stream.indirect.gather [hbm4b:s5+s6], $0x80, s11, s6, $0xb8;
	[tilespmem:$0x10200] =	vst v63  }
0x2d: {  	_ =	swait.ge [sflag:s13], $0x4000  }
0x2e: {  	[sflag:s13] =	ssyncset.done $0x0  }
0x2f: {  	[sflag:s13] =	ssyncadd.s32 $0xFFFFC000  }
0x30: {  	_ =	swait.ge [sflag:s13], $0x4000  }
0x31: {  	[sflag:s13] =	ssyncset.done $0x0  }
0x32: {  	[sflag:s13] =	ssyncadd.s32 $0xFFFFC000  }
0x33: {  	_ =	swait.ge [sflag:s13], $0x4000  }
0x34: {  	[sflag:s13] =	ssyncset.done $0x0  }
0x35: {  	[sflag:s13] =	ssyncadd.s32 $0xFFFFC000  }
0x36: {  	_ =	swait.ge [sflag:s13], $0x4000  }
.Ltmp1:
0x37: {  	[sflag:s13] =	ssyncset.done $0x0;
	(pc) =	sbr.rel @p0 .LBB2_1-.Ltmp1, $4  }
0x38: {  	[sflag:s13] =	ssyncadd.s32 $0xFFFFC000  }
0x39: {  	[hbm4b:s14+s2] =	stream.linear.scatter [tilespmem:s7], [sflag:$0x2], $0x10000, $0x38;
	[tilespmem:$0x10200] =	vst v63  }
0x3a: {  	_ =	swait.ge [sflag:s3], $0x10000  }
0x3b: {  	[sflag:s3] =	ssyncset.done $0x0  }
.LBB2_2:
0x3c: {  	[sflag:s3] =	ssyncadd.s32 $0xFFFF0000  }
0x3d: {  	_ =	sfence.sel $0x180000  }
0x3e: {  	[bflag:$0x0] =	sbarrier.arrive $0xFFFF  }
0x3f: {  	p0 =	sne.s32 s0, $0x0;
	_ =	strace $0x90000047  }
0x40: {  	s0 =	sadd.s32 @!p0 $0x100000, s1;
	[bflag:$0x2] =	sbarrier.arrive $0xFFFF  }
0x41: {  	[sflag:s0] =	ssyncadd.tile.s32 @!p0 $0x1;
	_ =	shalt  }
.Lfunc_end2:
_tile_overlayer_lowered:
.L_overlay_start_2:
0x42: {  	(tag) =	ssettag $0x2  }
0x43: {  	s0 =	rddreg [dreg:$0x0];
	s2 =	stileid.u32  }
0x44: {  	s1 =	rddreg [dreg:$0x1];
	p0 =	sne.s32 s2, $0x0  }
0x45: {  	s3 =	rddreg [dreg:$0x2];
	[bflag:$0x3] =	sbarrier.arrive $0xFFFF;
	s2 =	simm.s32 @!p0 $0x1C02  }
0x46: {  	[timem:s3], [sflag:s2] =	dma.local @!p0 [hbm:s0], s1  }
0x47: {  	s0 =	simm.s32 @!p0 $0x2  }
0x48: {  	_ =	swait.ge @!p0 [sflag:s0], s1  }
0x49: {  	s1 =	ssub.s32 @!p0 $0x0, s1;
	[sflag:s0] =	ssyncset.done @!p0 $0x0  }
0x4a: {  	[sflag:s0] =	ssyncadd.s32 @!p0 s1  }
0x4b: {  	[bflag:$0x3] =	sbarrier.arrive $0xFFFF  }
0x4c: {  	_ =	shalt  }

</sc_bundles>
